<compile_context>
chip_gen: v7x
topology: tpu7x:2x2x1
jax: 0.10.2.dev20260603
libtpu: 0.0.44.dev20260713+nightly
codegen_flags: <defaults>
</compile_context>

<pallas_src>
import functools

import jax
import jax.numpy as jnp
from jax import lax
from jax.experimental import pallas as pl
from jax.experimental.pallas import tpu as pltpu
from jax.experimental.pallas import tpu_sc as plsc

EMB_D = 64
NUM_E = 1024
VQ_BETA = 0.25
ROWS = 32 * 576
TILE = 3072
NSTEP = ROWS // TILE
LOSS_SCALE = VQ_BETA / float(ROWS * EMB_D)
PAD_D = 128

NW = 32
BPW = ROWS // NW
CH = BPW // 2


def _tc_body(x_ref, emb_ref, idx_ref, loss_ref, pad_ref):
    i = pl.program_id(0)
    x = x_ref[...]
    emb = emb_ref[...]
    xsq = jnp.sum(x * x, axis=1, keepdims=True)
    esq = jnp.sum(emb * emb, axis=1)[None, :]
    m = lax.dot_general(x, emb, (((1,), (1,)), ((), ())),
                        preferred_element_type=jnp.float32)
    d = (xsq + esq) - 2.0 * m
    mind = jnp.min(d, axis=1, keepdims=True)
    nchunk = NUM_E // 128
    firstc = None
    for c in range(nchunk):
        cc = jnp.where(d[:, c * 128:(c + 1) * 128] == mind, c, nchunk)
        firstc = cc if firstc is None else jnp.minimum(firstc, cc)
    lane = lax.broadcasted_iota(jnp.int32, (TILE, 128), 1)
    key = jnp.where(firstc < nchunk, firstc * 128 + lane, NUM_E)
    idx_ref[...] = jnp.min(key, axis=1, keepdims=True)

    pad_ref[:, :EMB_D] = emb
    pad_ref[:, EMB_D:] = jnp.zeros((NUM_E, PAD_D - EMB_D), jnp.float32)

    part = jnp.sum(mind)

    @pl.when(i == 0)
    def _():
        loss_ref[0, 0] = 0.0

    loss_ref[0, 0] += part

    @pl.when(i == NSTEP - 1)
    def _():
        loss_ref[0, 0] *= LOSS_SCALE


@functools.cache
def _make_sc_gather():
    mesh = plsc.VectorSubcoreMesh(core_axis_name="c", subcore_axis_name="s")

    @functools.partial(
        pl.kernel,
        mesh=mesh,
        out_type=jax.ShapeDtypeStruct((ROWS, PAD_D), jnp.float32),
        scratch_types=[
            pltpu.VMEM((CH,), jnp.int32),
            pltpu.VMEM((CH,), jnp.int32),
            pltpu.VMEM((CH, PAD_D), jnp.float32),
            pltpu.VMEM((CH, PAD_D), jnp.float32),
            pltpu.SemaphoreType.DMA,
            pltpu.SemaphoreType.DMA,
        ],
    )
    def _sc_gather(table_hbm, idx_hbm, out_hbm,
                   idx_a, idx_b, rows_a, rows_b, sem_a, sem_b):
        wid = lax.axis_index("s") * 2 + lax.axis_index("c")
        base = wid * BPW
        pltpu.sync_copy(idx_hbm.at[pl.ds(base, CH)], idx_a)
        cp_a = pltpu.async_copy(table_hbm.at[idx_a], rows_a, sem_a)
        pltpu.sync_copy(idx_hbm.at[pl.ds(base + CH, CH)], idx_b)
        cp_b = pltpu.async_copy(table_hbm.at[idx_b], rows_b, sem_b)
        cp_a.wait()
        pltpu.sync_copy(rows_a, out_hbm.at[pl.ds(base, CH)])
        cp_b.wait()
        pltpu.sync_copy(rows_b, out_hbm.at[pl.ds(base + CH, CH)])

    return _sc_gather


def kernel(x, embeddings):
    flat_x = x.reshape(-1, EMB_D)
    idx2d, loss_sum, table_pad = pl.pallas_call(
        _tc_body,
        grid=(NSTEP,),
        in_specs=[
            pl.BlockSpec((TILE, EMB_D), lambda i: (i, 0)),
            pl.BlockSpec((NUM_E, EMB_D), lambda i: (0, 0)),
        ],
        out_specs=[
            pl.BlockSpec((TILE, 1), lambda i: (i, 0)),
            pl.BlockSpec((1, 1), lambda i: (0, 0), memory_space=pltpu.SMEM),
            pl.BlockSpec((NUM_E, PAD_D), lambda i: (0, 0)),
        ],
        out_shape=[
            jax.ShapeDtypeStruct((ROWS, 1), jnp.int32),
            jax.ShapeDtypeStruct((1, 1), jnp.float32),
            jax.ShapeDtypeStruct((NUM_E, PAD_D), jnp.float32),
        ],
    )(flat_x, embeddings)
    idx = idx2d.reshape(ROWS)
    q = _make_sc_gather()(table_pad, idx)[:, :EMB_D]
    return idx, q.reshape(x.shape), loss_sum[0, 0]

# --- scband reference (transcript-rebuilt; emitter-appended) ---
"""Pipeline reference for scband-vector-quantizer-33818572489166 (READ-ONLY COPY).

The authoritative reference and input builder live on the scoring server;
editing this copy changes nothing except your own understanding.
"""

import jax, jax.numpy as jnp
import numpy as np

EMBEDDING_DIM = 64
NUM_EMBEDDINGS = 1024
BETA = 0.25


def setup_inputs(seed: int = 0) -> dict:
    key = jax.random.key(seed)
    k1, k2 = jax.random.split(key)
    x = jax.random.normal(k1, (32, 576, EMBEDDING_DIM), dtype=jnp.float32)
    # Learned codebook (in the torch module this is initialized from the first
    # batch via init_emb; here we materialize it as a parameter of the same shape).
    embeddings = jax.random.normal(k2, (NUM_EMBEDDINGS, EMBEDDING_DIM), dtype=jnp.float32) * 0.01
    return {"x": x, "embeddings": embeddings}


def reference(x, embeddings):
    flat_x = x.reshape(-1, EMBEDDING_DIM)
    # ||a-b||^2 = ||a||^2 + ||b||^2 - 2 a.b
    distances = (
        jnp.sum(flat_x ** 2, axis=-1, keepdims=True)
        + jnp.sum(embeddings.T ** 2, axis=0, keepdims=True)
        - 2.0 * jnp.matmul(flat_x, embeddings.T)
    )
    min_distance = jnp.min(distances, axis=-1)
    x_l = jnp.argmin(distances, axis=-1)
    quantized = jnp.take(embeddings, x_l, axis=0).reshape(x.shape)
    loss = (
        jnp.linalg.norm(jax.lax.stop_gradient(quantized) - x) ** 2
        / float(np.prod(x.shape))
        * BETA
    )
    # straight-through estimator
    quantized = x + jax.lax.stop_gradient(quantized - x)
    return (x_l, quantized, loss)

if __name__ == "__main__":
    import jax
    _d = setup_inputs()
    print(jax.jit(kernel)(*tuple(_d.values())))

</pallas_src>

<mosaic_0001>
#map = affine_map<(d0, d1) -> (0, 0)>
#map1 = affine_map<(d0, d1) -> (0)>
module attributes {stable_mosaic.version = 14 : i64} {
  func.func @_sc_gather(%arg0: i32, %arg1: i32, %arg2: memref<1024x128xf32, #tpu.memory_space<hbm>>, %arg3: memref<18432xi32, #tpu.memory_space<hbm>>, %arg4: memref<18432x128xf32, #tpu.memory_space<hbm>>, %arg5: memref<288xi32, #tpu.memory_space<vmem>>, %arg6: memref<288xi32, #tpu.memory_space<vmem>>, %arg7: memref<288x128xf32, #tpu.memory_space<vmem>>, %arg8: memref<288x128xf32, #tpu.memory_space<vmem>>, %arg9: memref<!tpu.dma_semaphore, #tpu.memory_space<semaphore_mem>>, %arg10: memref<!tpu.dma_semaphore, #tpu.memory_space<semaphore_mem>>) attributes {dimension_semantics = [#tpu.dimension_semantics<core_parallel>, #tpu.dimension_semantics<subcore_parallel>], iteration_bounds = array<i64: 2, 16>, scalar_prefetch = 0 : i64, scratch_operands = 6 : i64, tpu.core_type = #tpu.core_type<sc_vector_subcore>, window_params = [{transform_indices = #map}, {transform_indices = #map1}, {transform_indices = #map}]} {
    %mul3A = arith.constant 2 : i32
    %mul3A_0 = arith.muli %arg1, %mul3A : i32
    %add3A = arith.addi %mul3A_0, %arg0 : i32
    %mul3A_1 = arith.constant 576 : i32
    %mul3A_2 = arith.muli %add3A, %mul3A_1 : i32
    "tpu.region"() ({
      %run_scoped3A = tpu.sem_alloc : memref<!tpu.dma_semaphore, #tpu.memory_space<semaphore_mem>>
      %dma_start3A_17 = tpu.memref_slice %arg3[%mul3A_2] : memref<18432xi32, #tpu.memory_space<hbm>> -> memref<288xi32, #tpu.memory_space<hbm>>
      %dma_start3A_18 = tpu.memref_slice %arg3[%mul3A_2] : memref<18432xi32, #tpu.memory_space<hbm>> -> memref<288xi32, #tpu.memory_space<hbm>>
      tpu.enqueue_dma source(%dma_start3A_18 : memref<288xi32, #tpu.memory_space<hbm>>) target(%arg5 : memref<288xi32, #tpu.memory_space<vmem>>) target_semaphore(%run_scoped3A : memref<!tpu.dma_semaphore, #tpu.memory_space<semaphore_mem>>)
      %dma_wait3A_19 = tpu.memref_slice %arg3[%mul3A_2] : memref<18432xi32, #tpu.memory_space<hbm>> -> memref<288xi32, #tpu.memory_space<hbm>>
      %dma_wait3A_20 = tpu.memref_slice %arg3[%mul3A_2] : memref<18432xi32, #tpu.memory_space<hbm>> -> memref<288xi32, #tpu.memory_space<hbm>>
      tpu.wait_dma2 semaphore(%run_scoped3A : memref<!tpu.dma_semaphore, #tpu.memory_space<semaphore_mem>>) src(%dma_wait3A_20 : memref<288xi32, #tpu.memory_space<hbm>>) dst(%arg5 : memref<288xi32, #tpu.memory_space<vmem>>)
      tpu.yield
    }) : () -> ()
    %dma_start3A = arith.constant 0 : i32
    %dma_start3A_3 = arith.constant 0 : i32
    %dma_start3A_4 = tpu.memref_slice %arg2[%dma_start3A, %dma_start3A_3] : memref<1024x128xf32, #tpu.memory_space<hbm>> -> memref<1024x128xf32, #tpu.memory_space<hbm>>
    tpu.enqueue_indirect_dma source(%dma_start3A_4 : memref<1024x128xf32, #tpu.memory_space<hbm>>) target(%arg7 : memref<288x128xf32, #tpu.memory_space<vmem>>) offsets(%arg5 : memref<288xi32, #tpu.memory_space<vmem>>) semaphore(%arg9 : memref<!tpu.dma_semaphore, #tpu.memory_space<semaphore_mem>>)
    %add3A_5 = arith.constant 288 : i32
    %add3A_6 = arith.addi %mul3A_2, %add3A_5 : i32
    "tpu.region"() ({
      %run_scoped3A = tpu.sem_alloc : memref<!tpu.dma_semaphore, #tpu.memory_space<semaphore_mem>>
      %dma_start3A_17 = tpu.memref_slice %arg3[%add3A_6] : memref<18432xi32, #tpu.memory_space<hbm>> -> memref<288xi32, #tpu.memory_space<hbm>>
      %dma_start3A_18 = tpu.memref_slice %arg3[%add3A_6] : memref<18432xi32, #tpu.memory_space<hbm>> -> memref<288xi32, #tpu.memory_space<hbm>>
      tpu.enqueue_dma source(%dma_start3A_18 : memref<288xi32, #tpu.memory_space<hbm>>) target(%arg6 : memref<288xi32, #tpu.memory_space<vmem>>) target_semaphore(%run_scoped3A : memref<!tpu.dma_semaphore, #tpu.memory_space<semaphore_mem>>)
      %dma_wait3A_19 = tpu.memref_slice %arg3[%add3A_6] : memref<18432xi32, #tpu.memory_space<hbm>> -> memref<288xi32, #tpu.memory_space<hbm>>
      %dma_wait3A_20 = tpu.memref_slice %arg3[%add3A_6] : memref<18432xi32, #tpu.memory_space<hbm>> -> memref<288xi32, #tpu.memory_space<hbm>>
      tpu.wait_dma2 semaphore(%run_scoped3A : memref<!tpu.dma_semaphore, #tpu.memory_space<semaphore_mem>>) src(%dma_wait3A_20 : memref<288xi32, #tpu.memory_space<hbm>>) dst(%arg6 : memref<288xi32, #tpu.memory_space<vmem>>)
      tpu.yield
    }) : () -> ()
    %dma_start3A_7 = arith.constant 0 : i32
    %dma_start3A_8 = arith.constant 0 : i32
    %dma_start3A_9 = tpu.memref_slice %arg2[%dma_start3A_7, %dma_start3A_8] : memref<1024x128xf32, #tpu.memory_space<hbm>> -> memref<1024x128xf32, #tpu.memory_space<hbm>>
    tpu.enqueue_indirect_dma source(%dma_start3A_9 : memref<1024x128xf32, #tpu.memory_space<hbm>>) target(%arg8 : memref<288x128xf32, #tpu.memory_space<vmem>>) offsets(%arg6 : memref<288xi32, #tpu.memory_space<vmem>>) semaphore(%arg10 : memref<!tpu.dma_semaphore, #tpu.memory_space<semaphore_mem>>)
    %dma_wait3A = arith.constant 0 : i32
    %dma_wait3A_10 = arith.constant 0 : i32
    %dma_wait3A_11 = tpu.memref_slice %arg2[%dma_wait3A, %dma_wait3A_10] : memref<1024x128xf32, #tpu.memory_space<hbm>> -> memref<1024x128xf32, #tpu.memory_space<hbm>>
    tpu.wait_indirect_dma semaphore(%arg9 : memref<!tpu.dma_semaphore, #tpu.memory_space<semaphore_mem>>) src(%dma_wait3A_11 : memref<1024x128xf32, #tpu.memory_space<hbm>>) dst(%arg7 : memref<288x128xf32, #tpu.memory_space<vmem>>)
    "tpu.region"() ({
      %run_scoped3A = tpu.sem_alloc : memref<!tpu.dma_semaphore, #tpu.memory_space<semaphore_mem>>
      %dma_start3A_17 = arith.constant 0 : i32
      %dma_start3A_18 = tpu.memref_slice %arg4[%mul3A_2, %dma_start3A_17] : memref<18432x128xf32, #tpu.memory_space<hbm>> -> memref<288x128xf32, #tpu.memory_space<hbm>>
      %dma_start3A_19 = arith.constant 0 : i32
      %dma_start3A_20 = tpu.memref_slice %arg4[%mul3A_2, %dma_start3A_19] : memref<18432x128xf32, #tpu.memory_space<hbm>> -> memref<288x128xf32, #tpu.memory_space<hbm>>
      tpu.enqueue_dma source(%arg7 : memref<288x128xf32, #tpu.memory_space<vmem>>) target(%dma_start3A_20 : memref<288x128xf32, #tpu.memory_space<hbm>>) target_semaphore(%run_scoped3A : memref<!tpu.dma_semaphore, #tpu.memory_space<semaphore_mem>>)
      %dma_wait3A_21 = arith.constant 0 : i32
      %dma_wait3A_22 = tpu.memref_slice %arg4[%mul3A_2, %dma_wait3A_21] : memref<18432x128xf32, #tpu.memory_space<hbm>> -> memref<288x128xf32, #tpu.memory_space<hbm>>
      %dma_wait3A_23 = arith.constant 0 : i32
      %dma_wait3A_24 = tpu.memref_slice %arg4[%mul3A_2, %dma_wait3A_23] : memref<18432x128xf32, #tpu.memory_space<hbm>> -> memref<288x128xf32, #tpu.memory_space<hbm>>
      tpu.wait_dma2 semaphore(%run_scoped3A : memref<!tpu.dma_semaphore, #tpu.memory_space<semaphore_mem>>) src(%arg7 : memref<288x128xf32, #tpu.memory_space<vmem>>) dst(%dma_wait3A_24 : memref<288x128xf32, #tpu.memory_space<hbm>>)
      tpu.yield
    }) : () -> ()
    %dma_wait3A_12 = arith.constant 0 : i32
    %dma_wait3A_13 = arith.constant 0 : i32
    %dma_wait3A_14 = tpu.memref_slice %arg2[%dma_wait3A_12, %dma_wait3A_13] : memref<1024x128xf32, #tpu.memory_space<hbm>> -> memref<1024x128xf32, #tpu.memory_space<hbm>>
    tpu.wait_indirect_dma semaphore(%arg10 : memref<!tpu.dma_semaphore, #tpu.memory_space<semaphore_mem>>) src(%dma_wait3A_14 : memref<1024x128xf32, #tpu.memory_space<hbm>>) dst(%arg8 : memref<288x128xf32, #tpu.memory_space<vmem>>)
    %add3A_15 = arith.constant 288 : i32
    %add3A_16 = arith.addi %mul3A_2, %add3A_15 : i32
    "tpu.region"() ({
      %run_scoped3A = tpu.sem_alloc : memref<!tpu.dma_semaphore, #tpu.memory_space<semaphore_mem>>
      %dma_start3A_17 = arith.constant 0 : i32
      %dma_start3A_18 = tpu.memref_slice %arg4[%add3A_16, %dma_start3A_17] : memref<18432x128xf32, #tpu.memory_space<hbm>> -> memref<288x128xf32, #tpu.memory_space<hbm>>
      %dma_start3A_19 = arith.constant 0 : i32
      %dma_start3A_20 = tpu.memref_slice %arg4[%add3A_16, %dma_start3A_19] : memref<18432x128xf32, #tpu.memory_space<hbm>> -> memref<288x128xf32, #tpu.memory_space<hbm>>
      tpu.enqueue_dma source(%arg8 : memref<288x128xf32, #tpu.memory_space<vmem>>) target(%dma_start3A_20 : memref<288x128xf32, #tpu.memory_space<hbm>>) target_semaphore(%run_scoped3A : memref<!tpu.dma_semaphore, #tpu.memory_space<semaphore_mem>>)
      %dma_wait3A_21 = arith.constant 0 : i32
      %dma_wait3A_22 = tpu.memref_slice %arg4[%add3A_16, %dma_wait3A_21] : memref<18432x128xf32, #tpu.memory_space<hbm>> -> memref<288x128xf32, #tpu.memory_space<hbm>>
      %dma_wait3A_23 = arith.constant 0 : i32
      %dma_wait3A_24 = tpu.memref_slice %arg4[%add3A_16, %dma_wait3A_23] : memref<18432x128xf32, #tpu.memory_space<hbm>> -> memref<288x128xf32, #tpu.memory_space<hbm>>
      tpu.wait_dma2 semaphore(%run_scoped3A : memref<!tpu.dma_semaphore, #tpu.memory_space<semaphore_mem>>) src(%arg8 : memref<288x128xf32, #tpu.memory_space<vmem>>) dst(%dma_wait3A_24 : memref<288x128xf32, #tpu.memory_space<hbm>>)
      tpu.yield
    }) : () -> ()
    return
  }
}

module attributes {stable_mosaic.version = 14 : i64} {
  func.func @_tc_body(%arg0: i32, %arg1: memref<3072x64xf32, #tpu.memory_space<vmem>>, %arg2: memref<1024x64xf32, #tpu.memory_space<vmem>>, %arg3: memref<3072x1xi32, #tpu.memory_space<vmem>>, %arg4: memref<1x1xf32, #tpu.memory_space<smem>>, %arg5: memref<1024x128xf32, #tpu.memory_space<vmem>>) attributes {dimension_semantics = [#tpu.dimension_semantics<arbitrary>], iteration_bounds = array<i64: 6>, scalar_prefetch = 0 : i64, scratch_operands = 0 : i64, tpu.core_type = #tpu.core_type<tc>, window_params = [{transform_indices = @transform_0, window_bounds = array<i64: 3072, 64>}, {pipeline_mode = #tpu.pipeline_mode<synchronous>, transform_indices = @transform_1, window_bounds = array<i64: 1024, 64>}, {transform_indices = @transform_2, window_bounds = array<i64: 3072, 1>}, {transform_indices = @transform_3, window_bounds = array<i64: 1, 1>}, {pipeline_mode = #tpu.pipeline_mode<synchronous>, transform_indices = @transform_4, window_bounds = array<i64: 1024, 128>}]} {
    %get3A = arith.constant 0 : index
    %get3A_0 = arith.constant 0 : index
    %get3A_1 = vector.load %arg1[%get3A, %get3A_0] : memref<3072x64xf32, #tpu.memory_space<vmem>>, vector<3072x64xf32>
    %get3A_2 = arith.constant 0 : index
    %get3A_3 = arith.constant 0 : index
    %get3A_4 = vector.load %arg2[%get3A_2, %get3A_3] : memref<1024x64xf32, #tpu.memory_space<vmem>>, vector<1024x64xf32>
    %mul3A = arith.mulf %get3A_1, %get3A_1 : vector<3072x64xf32>
    %reduce_sum3A = arith.constant dense<0.000000e+00> : vector<3072xf32>
    %reduce_sum3A_5 = vector.multi_reduction <add>, %mul3A, %reduce_sum3A [1] : vector<3072x64xf32> to vector<3072xf32>
    %broadcast_in_dim3A = vector.shape_cast %reduce_sum3A_5 : vector<3072xf32> to vector<3072x1xf32>
    %mul3A_6 = arith.mulf %get3A_4, %get3A_4 : vector<1024x64xf32>
    %reduce_sum3A_7 = arith.constant dense<0.000000e+00> : vector<1024xf32>
    %reduce_sum3A_8 = vector.multi_reduction <add>, %mul3A_6, %reduce_sum3A_7 [1] : vector<1024x64xf32> to vector<1024xf32>
    %broadcast_in_dim3A_9 = vector.shape_cast %reduce_sum3A_8 : vector<1024xf32> to vector<1x1024xf32>
    %dot_general3A = arith.constant dense<0.000000e+00> : vector<3072x1024xf32>
    %dot_general3A_10 = tpu.matmul %get3A_1, %get3A_4, %dot_general3A {dimension_numbers = #tpu.dot_dimension_numbers<[1], [1], [0], [0], [0, 0, 1, 0], [], []>, transpose_lhs_hint = false} : vector<3072x64xf32>, vector<1024x64xf32>, vector<3072x1024xf32> -> vector<3072x1024xf32>
    %add3A = vector.broadcast %broadcast_in_dim3A : vector<3072x1xf32> to vector<3072x1024xf32>
    %add3A_11 = vector.broadcast %broadcast_in_dim3A_9 : vector<1x1024xf32> to vector<3072x1024xf32>
    %add3A_12 = arith.addf %add3A, %add3A_11 : vector<3072x1024xf32>
    %mul3A_13 = arith.constant 2.000000e+00 : f32
    %mul3A_14 = vector.broadcast %mul3A_13 : f32 to vector<3072x1024xf32>
    %mul3A_15 = arith.mulf %mul3A_14, %dot_general3A_10 : vector<3072x1024xf32>
    %sub3A = arith.subf %add3A_12, %mul3A_15 : vector<3072x1024xf32>
    %reduce_min3A = arith.constant dense<0x7F800000> : vector<3072xf32>
    %reduce_min3A_16 = vector.multi_reduction <minimumf>, %sub3A, %reduce_min3A [1] : vector<3072x1024xf32> to vector<3072xf32>
    %broadcast_in_dim3A_17 = vector.shape_cast %reduce_min3A_16 : vector<3072xf32> to vector<3072x1xf32>
    %slice3A = vector.extract_strided_slice %sub3A {offsets = [0, 0], sizes = [3072, 128], strides = [1, 1]} : vector<3072x1024xf32> to vector<3072x128xf32>
    %eq3A = vector.broadcast %broadcast_in_dim3A_17 : vector<3072x1xf32> to vector<3072x128xf32>
    %eq3A_18 = arith.cmpf oeq, %slice3A, %eq3A : vector<3072x128xf32>
    %jit3A = arith.constant 0 : i32
    %jit3A_19 = arith.constant 8 : i32
    %broadcast_in_dim3A_20 = vector.broadcast %jit3A : i32 to vector<3072x128xi32>
    %broadcast_in_dim3A_21 = vector.broadcast %jit3A_19 : i32 to vector<3072x128xi32>
    %select_n3A = arith.select %eq3A_18, %broadcast_in_dim3A_20, %broadcast_in_dim3A_21 : vector<3072x128xi1>, vector<3072x128xi32>
    %slice3A_22 = vector.extract_strided_slice %sub3A {offsets = [0, 128], sizes = [3072, 128], strides = [1, 1]} : vector<3072x1024xf32> to vector<3072x128xf32>
    %eq3A_23 = vector.broadcast %broadcast_in_dim3A_17 : vector<3072x1xf32> to vector<3072x128xf32>
    %eq3A_24 = arith.cmpf oeq, %slice3A_22, %eq3A_23 : vector<3072x128xf32>
    %jit3A_25 = arith.constant 1 : i32
    %jit3A_26 = arith.constant 8 : i32
    %broadcast_in_dim3A_27 = vector.broadcast %jit3A_25 : i32 to vector<3072x128xi32>
    %broadcast_in_dim3A_28 = vector.broadcast %jit3A_26 : i32 to vector<3072x128xi32>
    %select_n3A_29 = arith.select %eq3A_24, %broadcast_in_dim3A_27, %broadcast_in_dim3A_28 : vector<3072x128xi1>, vector<3072x128xi32>
    %min3A = arith.minsi %select_n3A, %select_n3A_29 : vector<3072x128xi32>
    %slice3A_30 = vector.extract_strided_slice %sub3A {offsets = [0, 256], sizes = [3072, 128], strides = [1, 1]} : vector<3072x1024xf32> to vector<3072x128xf32>
    %eq3A_31 = vector.broadcast %broadcast_in_dim3A_17 : vector<3072x1xf32> to vector<3072x128xf32>
    %eq3A_32 = arith.cmpf oeq, %slice3A_30, %eq3A_31 : vector<3072x128xf32>
    %jit3A_33 = arith.constant 2 : i32
    %jit3A_34 = arith.constant 8 : i32
    %broadcast_in_dim3A_35 = vector.broadcast %jit3A_33 : i32 to vector<3072x128xi32>
    %broadcast_in_dim3A_36 = vector.broadcast %jit3A_34 : i32 to vector<3072x128xi32>
    %select_n3A_37 = arith.select %eq3A_32, %broadcast_in_dim3A_35, %broadcast_in_dim3A_36 : vector<3072x128xi1>, vector<3072x128xi32>
    %min3A_38 = arith.minsi %min3A, %select_n3A_37 : vector<3072x128xi32>
    %slice3A_39 = vector.extract_strided_slice %sub3A {offsets = [0, 384], sizes = [3072, 128], strides = [1, 1]} : vector<3072x1024xf32> to vector<3072x128xf32>
    %eq3A_40 = vector.broadcast %broadcast_in_dim3A_17 : vector<3072x1xf32> to vector<3072x128xf32>
    %eq3A_41 = arith.cmpf oeq, %slice3A_39, %eq3A_40 : vector<3072x128xf32>
    %jit3A_42 = arith.constant 3 : i32
    %jit3A_43 = arith.constant 8 : i32
    %broadcast_in_dim3A_44 = vector.broadcast %jit3A_42 : i32 to vector<3072x128xi32>
    %broadcast_in_dim3A_45 = vector.broadcast %jit3A_43 : i32 to vector<3072x128xi32>
    %select_n3A_46 = arith.select %eq3A_41, %broadcast_in_dim3A_44, %broadcast_in_dim3A_45 : vector<3072x128xi1>, vector<3072x128xi32>
    %min3A_47 = arith.minsi %min3A_38, %select_n3A_46 : vector<3072x128xi32>
    %slice3A_48 = vector.extract_strided_slice %sub3A {offsets = [0, 512], sizes = [3072, 128], strides = [1, 1]} : vector<3072x1024xf32> to vector<3072x128xf32>
    %eq3A_49 = vector.broadcast %broadcast_in_dim3A_17 : vector<3072x1xf32> to vector<3072x128xf32>
    %eq3A_50 = arith.cmpf oeq, %slice3A_48, %eq3A_49 : vector<3072x128xf32>
    %jit3A_51 = arith.constant 4 : i32
    %jit3A_52 = arith.constant 8 : i32
    %broadcast_in_dim3A_53 = vector.broadcast %jit3A_51 : i32 to vector<3072x128xi32>
    %broadcast_in_dim3A_54 = vector.broadcast %jit3A_52 : i32 to vector<3072x128xi32>
    %select_n3A_55 = arith.select %eq3A_50, %broadcast_in_dim3A_53, %broadcast_in_dim3A_54 : vector<3072x128xi1>, vector<3072x128xi32>
    %min3A_56 = arith.minsi %min3A_47, %select_n3A_55 : vector<3072x128xi32>
    %slice3A_57 = vector.extract_strided_slice %sub3A {offsets = [0, 640], sizes = [3072, 128], strides = [1, 1]} : vector<3072x1024xf32> to vector<3072x128xf32>
    %eq3A_58 = vector.broadcast %broadcast_in_dim3A_17 : vector<3072x1xf32> to vector<3072x128xf32>
    %eq3A_59 = arith.cmpf oeq, %slice3A_57, %eq3A_58 : vector<3072x128xf32>
    %jit3A_60 = arith.constant 5 : i32
    %jit3A_61 = arith.constant 8 : i32
    %broadcast_in_dim3A_62 = vector.broadcast %jit3A_60 : i32 to vector<3072x128xi32>
    %broadcast_in_dim3A_63 = vector.broadcast %jit3A_61 : i32 to vector<3072x128xi32>
    %select_n3A_64 = arith.select %eq3A_59, %broadcast_in_dim3A_62, %broadcast_in_dim3A_63 : vector<3072x128xi1>, vector<3072x128xi32>
    %min3A_65 = arith.minsi %min3A_56, %select_n3A_64 : vector<3072x128xi32>
    %slice3A_66 = vector.extract_strided_slice %sub3A {offsets = [0, 768], sizes = [3072, 128], strides = [1, 1]} : vector<3072x1024xf32> to vector<3072x128xf32>
    %eq3A_67 = vector.broadcast %broadcast_in_dim3A_17 : vector<3072x1xf32> to vector<3072x128xf32>
    %eq3A_68 = arith.cmpf oeq, %slice3A_66, %eq3A_67 : vector<3072x128xf32>
    %jit3A_69 = arith.constant 6 : i32
    %jit3A_70 = arith.constant 8 : i32
    %broadcast_in_dim3A_71 = vector.broadcast %jit3A_69 : i32 to vector<3072x128xi32>
    %broadcast_in_dim3A_72 = vector.broadcast %jit3A_70 : i32 to vector<3072x128xi32>
    %select_n3A_73 = arith.select %eq3A_68, %broadcast_in_dim3A_71, %broadcast_in_dim3A_72 : vector<3072x128xi1>, vector<3072x128xi32>
    %min3A_74 = arith.minsi %min3A_65, %select_n3A_73 : vector<3072x128xi32>
    %slice3A_75 = vector.extract_strided_slice %sub3A {offsets = [0, 896], sizes = [3072, 128], strides = [1, 1]} : vector<3072x1024xf32> to vector<3072x128xf32>
    %eq3A_76 = vector.broadcast %broadcast_in_dim3A_17 : vector<3072x1xf32> to vector<3072x128xf32>
    %eq3A_77 = arith.cmpf oeq, %slice3A_75, %eq3A_76 : vector<3072x128xf32>
    %jit3A_78 = arith.constant 7 : i32
    %jit3A_79 = arith.constant 8 : i32
    %broadcast_in_dim3A_80 = vector.broadcast %jit3A_78 : i32 to vector<3072x128xi32>
    %broadcast_in_dim3A_81 = vector.broadcast %jit3A_79 : i32 to vector<3072x128xi32>
    %select_n3A_82 = arith.select %eq3A_77, %broadcast_in_dim3A_80, %broadcast_in_dim3A_81 : vector<3072x128xi1>, vector<3072x128xi32>
    %min3A_83 = arith.minsi %min3A_74, %select_n3A_82 : vector<3072x128xi32>
    %iota3A = tpu.iota {dimensions = array<i32: 1>} : vector<3072x128xi32>
    %lt3A = arith.constant 8 : i32
    %lt3A_84 = vector.broadcast %lt3A : i32 to vector<3072x128xi32>
    %lt3A_85 = arith.cmpi slt, %min3A_83, %lt3A_84 : vector<3072x128xi32>
    %mul3A_86 = arith.constant 128 : i32
    %mul3A_87 = vector.broadcast %mul3A_86 : i32 to vector<3072x128xi32>
    %mul3A_88 = arith.muli %min3A_83, %mul3A_87 : vector<3072x128xi32>
    %add3A_89 = arith.addi %mul3A_88, %iota3A : vector<3072x128xi32>
    %jit3A_90 = arith.constant 1024 : i32
    %broadcast_in_dim3A_91 = vector.broadcast %jit3A_90 : i32 to vector<3072x128xi32>
    %select_n3A_92 = arith.select %lt3A_85, %add3A_89, %broadcast_in_dim3A_91 : vector<3072x128xi1>, vector<3072x128xi32>
    %reduce_min3A_93 = arith.constant dense<2147483647> : vector<3072xi32>
    %reduce_min3A_94 = vector.multi_reduction <minsi>, %select_n3A_92, %reduce_min3A_93 [1] : vector<3072x128xi32> to vector<3072xi32>
    %broadcast_in_dim3A_95 = vector.shape_cast %reduce_min3A_94 : vector<3072xi32> to vector<3072x1xi32>
    %swap3A = arith.constant 0 : index
    %swap3A_96 = arith.constant 0 : index
    %swap3A_97 = vector.load %arg3[%swap3A, %swap3A_96] : memref<3072x1xi32, #tpu.memory_space<vmem>>, vector<3072x1xi32>
    tpu.vector_store %arg3[%swap3A, %swap3A_96], %broadcast_in_dim3A_95 {strides = array<i32>} : memref<3072x1xi32, #tpu.memory_space<vmem>>, vector<3072x1xi32>,
    %swap3A_98 = arith.constant 0 : index
    %swap3A_99 = arith.constant 0 : index
    %swap3A_100 = vector.load %arg5[%swap3A_98, %swap3A_99] : memref<1024x128xf32, #tpu.memory_space<vmem>>, vector<1024x64xf32>
    tpu.vector_store %arg5[%swap3A_98, %swap3A_99], %get3A_4 {strides = array<i32>} : memref<1024x128xf32, #tpu.memory_space<vmem>>, vector<1024x64xf32>,
    %broadcast_in_dim3A_101 = arith.constant 0.000000e+00 : f32
    %broadcast_in_dim3A_102 = vector.broadcast %broadcast_in_dim3A_101 : f32 to vector<1024x64xf32>
    %swap3A_103 = arith.constant 0 : index
    %swap3A_104 = arith.constant 64 : index
    %swap3A_105 = vector.load %arg5[%swap3A_103, %swap3A_104] : memref<1024x128xf32, #tpu.memory_space<vmem>>, vector<1024x64xf32>
    tpu.vector_store %arg5[%swap3A_103, %swap3A_104], %broadcast_in_dim3A_102 {strides = array<i32>} : memref<1024x128xf32, #tpu.memory_space<vmem>>, vector<1024x64xf32>,
    %reduce_sum3A_106 = vector.shape_cast %broadcast_in_dim3A_17 : vector<3072x1xf32> to vector<1x3072x1xf32>
    %reduce_sum3A_107 = arith.constant dense<0.000000e+00> : vector<1xf32>
    %reduce_sum3A_108 = vector.multi_reduction <add>, %reduce_sum3A_106, %reduce_sum3A_107 [1, 2] : vector<1x3072x1xf32> to vector<1xf32>
    %reduce_sum3A_109 = vector.shape_cast %reduce_sum3A_108 : vector<1xf32> to vector<1x1x1xf32>
    %reduce_sum3A_110 = vector.extract %reduce_sum3A_109[0, 0, 0] : f32 from vector<1x1x1xf32>
    %eq3A_111 = arith.constant 0 : i32
    %eq3A_112 = arith.cmpi eq, %arg0, %eq3A_111 : i32
    %convert_element_type3A = arith.extui %eq3A_112 : i1 to i32
    %cond3A = arith.constant 0 : i32
    %cond3A_113 = arith.cmpi ne, %convert_element_type3A, %cond3A : i32
    scf.if %cond3A_113 {
      %swap3A_126 = arith.constant 0.000000e+00 : f32
      %swap3A_127 = arith.constant 0 : index
      %swap3A_128 = arith.constant 0 : index
      %swap3A_129 = memref.load %arg4[%swap3A_127, %swap3A_128] : memref<1x1xf32, #tpu.memory_space<smem>>
      memref.store %swap3A_126, %arg4[%swap3A_127, %swap3A_128] : memref<1x1xf32, #tpu.memory_space<smem>>
    } else {
    }
    %get3A_114 = arith.constant 0 : index
    %get3A_115 = arith.constant 0 : index
    %get3A_116 = memref.load %arg4[%get3A_114, %get3A_115] : memref<1x1xf32, #tpu.memory_space<smem>>
    %add3A_117 = arith.addf %get3A_116, %reduce_sum3A_110 : f32
    %swap3A_118 = arith.constant 0 : index
    %swap3A_119 = arith.constant 0 : index
    %swap3A_120 = memref.load %arg4[%swap3A_118, %swap3A_119] : memref<1x1xf32, #tpu.memory_space<smem>>
    memref.store %add3A_117, %arg4[%swap3A_118, %swap3A_119] : memref<1x1xf32, #tpu.memory_space<smem>>
    %eq3A_121 = arith.constant 5 : i32
    %eq3A_122 = arith.cmpi eq, %arg0, %eq3A_121 : i32
    %convert_element_type3A_123 = arith.extui %eq3A_122 : i1 to i32
    %cond3A_124 = arith.constant 0 : i32
    %cond3A_125 = arith.cmpi ne, %convert_element_type3A_123, %cond3A_124 : i32
    scf.if %cond3A_125 {
      %get3A_126 = arith.constant 0 : index
      %get3A_127 = arith.constant 0 : index
      %get3A_128 = memref.load %arg4[%get3A_126, %get3A_127] : memref<1x1xf32, #tpu.memory_space<smem>>
      %mul3A_129 = arith.constant 2.11927627E-7 : f32
      %mul3A_130 = arith.mulf %get3A_128, %mul3A_129 : f32
      %swap3A_131 = arith.constant 0 : index
      %swap3A_132 = arith.constant 0 : index
      %swap3A_133 = memref.load %arg4[%swap3A_131, %swap3A_132] : memref<1x1xf32, #tpu.memory_space<smem>>
      memref.store %mul3A_130, %arg4[%swap3A_131, %swap3A_132] : memref<1x1xf32, #tpu.memory_space<smem>>
    } else {
    }
    return
  }
  func.func @transform_0(%arg0: i32) -> (i32, i32) {
    %c0_i32 = arith.constant 0 : i32
    %c0_i32_0 = arith.constant 0 : i32
    return %arg0, %c0_i32 : i32, i32
  }
  func.func @transform_1(%arg0: i32) -> (i32, i32) {
    %c0_i32 = arith.constant 0 : i32
    %c0_i32_0 = arith.constant 0 : i32
    %c0_i32_1 = arith.constant 0 : i32
    return %c0_i32, %c0_i32_0 : i32, i32
  }
  func.func @transform_2(%arg0: i32) -> (i32, i32) {
    %c0_i32 = arith.constant 0 : i32
    %c0_i32_0 = arith.constant 0 : i32
    return %arg0, %c0_i32 : i32, i32
  }
  func.func @transform_3(%arg0: i32) -> (i32, i32) {
    %c0_i32 = arith.constant 0 : i32
    %c0_i32_0 = arith.constant 0 : i32
    %c0_i32_1 = arith.constant 0 : i32
    return %c0_i32, %c0_i32_0 : i32, i32
  }
  func.func @transform_4(%arg0: i32) -> (i32, i32) {
    %c0_i32 = arith.constant 0 : i32
    %c0_i32_0 = arith.constant 0 : i32
    %c0_i32_1 = arith.constant 0 : i32
    return %c0_i32, %c0_i32_0 : i32, i32
  }
}

</mosaic_0001>

<sc_bundles>
// kernel: kernel.4.cloned.1.call-start
scs
__scs_entry_jumppad:
0x0: {  	(pc) =	sbr.rel $0x88, $3  }
0x1: {  	(tag) =	ssettag $0x0;
	lr =	simm.s32 $0x1  }
0x2: {  	[smem:$0x3F9F] =	sst lr;
	_ =	strace $0xD0000000  }
0x3: {  	_ = 	snop  }
0x4: {  	_ = 	snop  }
0x5: {  	_ = 	snop  }
0x6: {  	_ = 	snop  }
0x7: {  	_ = 	snop  }
__scs_overlays_trampoline_lowered:
0x8: {  	[smem:$0x3FAE] =	sst s0  }
0x9: {  	[smem:$0x3FAF] =	sst s1  }
0xa: {  	[smem:$0x3FB0] =	sst s2  }
0xb: {  	[smem:$0x3FB1] =	sst s3  }
0xc: {  	[smem:$0x3FB2] =	sst s4  }
0xd: {  	[smem:$0x3FB3] =	sst s5  }
0xe: {  	[smem:$0x3FB4] =	sst s6  }
0xf: {  	[smem:$0x3FB5] =	sst s7  }
0x10: {  	[smem:$0x3FB6] =	sst s8  }
0x11: {  	[smem:$0x3FB7] =	sst s9;
	s0 =	simm.s32 @!p0 $0x0  }
0x12: {  	s1 =	sld [smem:$0x3F9D];
	s0 =	simm.s32 @p0 $0x1  }
0x13: {  	[smem:$0x3FB8] =	sst s0;
	s0 =	simm.s32 @!p1 $0x0  }
0x14: {  	s2 =	sld [smem:$0x3F9C];
	s0 =	simm.s32 @p1 $0x1  }
0x15: {  	[smem:$0x3FB9] =	sst s0;
	s0 =	simm.s32 @!p2 $0x0  }
0x16: {  	s3 =	sld [smem:$0x3FDB];
	s0 =	simm.s32 @p2 $0x1  }
0x17: {  	s4 =	simm.s32 $0x1BF5;
	[smem:$0x3FBB] =	sst s0  }
0x18: {  	s0 =	sld [smem:$0x3F9E];
	_ =	swait.ge [sflag:s4], $0x0  }
0x19: {  	s7 =	sld [smem:$0x3F9F]  }
0x1a: {  	s8 =	sadd.s32 $0xFFFFE003, lr  }
0x1b: {  	s9 =	sadd.s32 $0xFFFFFEF7, lr;
	s5 =	simm.s32 $0xFFFFFFFF;
	p2 =	slt.u32 s8, $0xFFFFF086  }
0x1c: {  	p1 =	slt.u32 s9, $0xF7A;
	s5 =	simm.s32 @!p2 $0x0  }
0x1d: {  	s5 =	simm.s32 @p1 $0x1;
	p0 =	seq.s32 s7, s2  }
0x1e: {  	s7 =	smul.u32 @!p0 $0xF7A, s2;
	p2 =	seq.s32 @!p0 s5, $0x0  }
0x1f: {  	s9 =	smul.u32 $0xF7A, s1;
	s8 =	simm.s32 @!p0 $0x1BF5;
	p2 =	por !p2, p0  }
0x20: {  	[sflag:s8] =	ssyncset.s32 @!p0 $0xFFFFF086;
	s6 =	sadd.s32 @!p0 s3, s7;
	s7 =	simm.s32 @!p0 $0x108  }
0x21: {  	s3 =	sadd.s32 s3, s9;
	s6 =	sadd.s32 @!p0 $0x88, s6;
	s7 =	simm.s32 @p2 $0x1082  }
0x22: {  	[simem:s7], [sflag:s8] =	dma.local @!p0 [hbm:s6], $0xF7A  }
0x23: {  	s9 =	sor.u32 $0xD0000000, s2;
	s6 =	simm.s32 $0x108;
	_ =	swait.ge @!p0 [sflag:s8], $0x0  }
0x24: {  	s3 =	sadd.s32 $0x88, s3;
	s6 =	simm.s32 @!p1 $0x1082;
	[sflag:s4] =	ssyncset.s32 $0xFFFFF086  }
0x25: {  	[simem:s6], [sflag:s4] =	dma.local [hbm:s3], $0xF7A  }
0x26: {  	[smem:$0x3F9F] =	sst s1;
	(tag) =	ssettag s2;
	_ =	strace s9  }
0x27: {  	s1 =	sld [smem:$0x3FAF]  }
0x28: {  	s2 =	sld [smem:$0x3FB0]  }
0x29: {  	s4 =	sld [smem:$0x3FB2]  }
0x2a: {  	p0 =	seq.s32 s5, $0x0;
	s5 =	sld [smem:$0x3FB3]  }
0x2b: {  	s6 =	sld [smem:$0x3FB4]  }
0x2c: {  	s7 =	sld [smem:$0x3FB5]  }
0x2d: {  	s3 =	simm.s32 $0x108;
	s8 =	sld [smem:$0x3FB6]  }
0x2e: {  	s3 =	simm.s32 @!p0 $0x1082;
	s9 =	sld [smem:$0x3FB7]  }
0x2f: {  	lr =	sadd.s32 s0, s3;
	s0 =	sld [smem:$0x3FAE]  }
0x30: {  	s3 =	sld [smem:$0x3FB1]  }
0x31: {  	[smem:$0x3FBA] =	sst s10  }
0x32: {  	s10 =	sld [smem:$0x3FB8];
	_ =	sdelay $0x3  }
0x33: {  	p0 =	seq.s32 s10, $0x1;
	s10 =	sld [smem:$0x3FBA];
	_ =	sdelay $0x3  }
0x34: {  	[smem:$0x3FBA] =	sst s10  }
0x35: {  	s10 =	sld [smem:$0x3FB9];
	_ =	sdelay $0x3  }
0x36: {  	p1 =	seq.s32 s10, $0x1;
	s10 =	sld [smem:$0x3FBA];
	_ =	sdelay $0x3  }
0x37: {  	[smem:$0x3FBA] =	sst s10  }
0x38: {  	s10 =	sld [smem:$0x3FBB]  }
0x39: {  	_ = 	snop;
	(pc) =	sbr.ind lr, $3  }
0x3a: {  	_ = 	snop  }
0x3b: {  	_ = 	snop  }
0x3c: {  	p2 =	seq.s32 s10, $0x1;
	s10 =	sld [smem:$0x3FBA]  }
0x3d: {  	_ =	shalt  }
0x3e: {  	_ =	shalt  }
0x3f: {  	_ =	shalt  }
0x40: {  	_ =	shalt  }
0x41: {  	_ =	shalt  }
0x42: {  	_ =	shalt  }
0x43: {  	_ =	shalt  }
0x44: {  	_ =	shalt  }
0x45: {  	_ =	shalt  }
0x46: {  	_ =	shalt  }
0x47: {  	_ =	shalt  }
0x48: {  	_ =	shalt  }
0x49: {  	_ =	shalt  }
0x4a: {  	_ =	shalt  }
0x4b: {  	_ =	shalt  }
0x4c: {  	_ =	shalt  }
0x4d: {  	_ =	shalt  }
0x4e: {  	_ =	shalt  }
0x4f: {  	_ =	shalt  }
0x50: {  	_ =	shalt  }
0x51: {  	_ =	shalt  }
0x52: {  	_ =	shalt  }
0x53: {  	_ =	shalt  }
0x54: {  	_ =	shalt  }
0x55: {  	_ =	shalt  }
0x56: {  	_ =	shalt  }
0x57: {  	_ =	shalt  }
0x58: {  	_ =	shalt  }
0x59: {  	_ =	shalt  }
0x5a: {  	_ =	shalt  }
0x5b: {  	_ =	shalt  }
0x5c: {  	_ =	shalt  }
0x5d: {  	_ =	shalt  }
0x5e: {  	_ =	shalt  }
0x5f: {  	_ =	shalt  }
0x60: {  	_ =	shalt  }
0x61: {  	_ =	shalt  }
0x62: {  	_ =	shalt  }
0x63: {  	_ =	shalt  }
0x64: {  	_ =	shalt  }
0x65: {  	_ =	shalt  }
0x66: {  	_ =	shalt  }
0x67: {  	_ =	shalt  }
0x68: {  	_ =	shalt  }
0x69: {  	_ =	shalt  }
0x6a: {  	_ =	shalt  }
0x6b: {  	_ =	shalt  }
0x6c: {  	_ =	shalt  }
0x6d: {  	_ =	shalt  }
0x6e: {  	_ =	shalt  }
0x6f: {  	_ =	shalt  }
0x70: {  	_ =	shalt  }
0x71: {  	_ =	shalt  }
0x72: {  	_ =	shalt  }
0x73: {  	_ =	shalt  }
0x74: {  	_ =	shalt  }
0x75: {  	_ =	shalt  }
0x76: {  	_ =	shalt  }
0x77: {  	_ =	shalt  }
0x78: {  	_ =	shalt  }
0x79: {  	_ =	shalt  }
0x7a: {  	_ =	shalt  }
0x7b: {  	_ =	shalt  }
0x7c: {  	_ =	shalt  }
0x7d: {  	_ =	shalt  }
0x7e: {  	_ =	shalt  }
0x7f: {  	_ =	shalt  }
0x80: {  	_ =	shalt  }
0x81: {  	_ =	shalt  }
0x82: {  	_ =	shalt  }
0x83: {  	_ =	shalt  }
0x84: {  	_ =	shalt  }
0x85: {  	_ =	shalt  }
0x86: {  	_ =	shalt  }
0x87: {  	_ =	shalt  }
.Lfunc_end0:
.L_simem_size_0:
called_computation_lowered:
.L_overlay_start_0:
0x88: {  	s2 =	sld [smem:$0x3FD9]  }
0x89: {  	s3 =	sld [smem:$0x3FFE];
	_ =	sdelay $0x1  }
0x8a: {  	s1 =	srdreg.scid  }
0x8b: {  	s0 =	sand.u32 $0x1, s1  }
0x8c: {  	s14 =	sshll.u32 s0, $0xA;
	s2 =	sadd.s32 s3, s2  }
0x8d: {  	s2 =	sadd.s32 s2, s14  }
0x8e: {  	[smem:$0x3FC6] =	sst s2  }
0x8f: {  	_ = 	snop  }
0x90: {  	s2 =	sld [smem:$0x3FD0];
	_ =	sdelay $0x2  }
0x91: {  	s15 =	simm.s32 $0xA;
	s4 =	simm.s32 $0x10  }
0x92: {  	[smem:s4], [sflag:s15] =	dma.local [hbm:s2], $0x1  }
0x93: {  	_ =	swait.eq [sflag:s15], $0x1  }
0x94: {  	[sflag:s15] =	ssyncset.done $0x0  }
0x95: {  	s16 =	sld [smem:$0x10];
	[sflag:s15] =	ssyncadd.s32 $0xFFFFFFFF  }
0x96: {  	s17 =	sld [smem:$0x11];
	(tm) =	ssettm $0x1  }
0x97: {  	s18 =	sld [smem:$0x3FFB];
	_ =	sdelay $0x3  }
0x98: {  	_ =	strace s18  }
0x99: {  	s4 =	sld [smem:$0x3FFC];
	_ =	sdelay $0x3  }
0x9a: {  	_ =	strace s4  }
0x9b: {  	s4 =	sld [smem:$0x3FFD];
	_ =	sdelay $0x3  }
0x9c: {  	_ =	strace s4  }
0x9d: {  	_ =	strace $0x8FFFFFFF  }
0x9e: {  	s19 =	sld [smem:$0x3FDB];
	_ =	sdelay $0x1  }
0x9f: {  	s5 =	simm.s32 $_scs_section_size  }
0xa0: {  	s6 =	simm.s32 $_size__tile_overlayer_lowered;
	s7 =	simm.s32 $_tile_overlayer_lowered  }
0xa1: {  	s22 =	simm.s32 $0x1BFF;
	s21 =	sshll.u32 s7, $0x1;
	s4 =	sadd.s32 s5, s19  }
0xa2: {  	s8 =	simm.s32 $0x0;
	s20 =	sshll.u32 s6, $0x1;
	s6 =	sadd.s32 s21, s4  }
0xa3: {  	[timem:s8], [sflag:s22] =	dma.local [hbm:s6], s20  }
0xa4: {  	_ =	swait.ge [sflag:s22], s20  }
0xa5: {  	s5 =	ssub.s32 $0x0, s20;
	[sflag:s22] =	ssyncset.done $0x0  }
0xa6: {  	[sflag:s22] =	ssyncadd.s32 s5;
	_ =	sdelay $0x1  }
0xa7: {  	s23 =	simm.s32 $0x1B8B  }
0xa8: {  	_ =	swait.ge [sflag:s23], $0x1  }
0xa9: {  	[sflag:s23] =	ssyncset.done $0x0  }
0xaa: {  	s25 =	simm.s32 $0x1B8E;
	s24 =	sld [smem:$0x3FFE];
	[sflag:s23] =	ssyncadd.s32 $0xFFFFFFFF  }
0xab: {  	s26 =	simm.s32 $execute0_lowered;
	[smem:$0x3FD2] =	sst s25  }
0xac: {  	s6 =	sshll.u32 s26, $0x1;
	_ =	strace $0x80000046;
	[dreg:$0x1] =	wrdreg $0xFFFFFFFF  }
0xad: {  	s28 =	simm.s32 $_size_execute0_lowered;
	s4 =	sadd.s32 s4, s6;
	[dreg:$0x0] =	wrdreg $0x0  }
0xae: {  	s6 =	sshll.u32 s28, $0x1;
	[dreg:$0x2] =	wrdreg s4  }
0xaf: {  	[dreg:$0x3] =	wrdreg s6  }
0xb0: {  	[dreg:$0x4] =	wrdreg $0xC0  }
0xb1: {  	_ =	task [dreg:s8], $0x5FFFF  }
0xb2: {  	[dreg:$0x1] =	wrdreg $0xFFFFFFFF  }
0xb3: {  	[dreg:$0x0] =	wrdreg $0x60  }
0xb4: {  	[dreg:$0x2] =	wrdreg s17  }
0xb5: {  	[dreg:$0x3] =	wrdreg s16  }
0xb6: {  	[dreg:$0x4] =	wrdreg s24  }
0xb7: {  	[dreg:$0x5] =	wrdreg $0x9  }
0xb8: {  	_ =	task.clear_ibuf [dreg:s8], $0x6FFFF;
	_ =	strace $0x90000046  }
0xb9: {  	s29 =	simm.s32 $0x9;
	_ =	strace $0x80000048  }
0xba: {  	_ =	swait.ge [sflag:s29], $0x1  }
0xbb: {  	[sflag:s29] =	ssyncadd.s32 $0xFFFFFFFF  }
0xbc: {  	_ =	strace $0x90000048  }
0xbd: {  	_ =	sfence  }
0xbe: {  	s30 =	sld [smem:$0x0];
	_ =	sdelay $0x2  }
0xbf: {  	s31 =	sshll.u32 s1, $0xD;
	s1 =	sshrl.u32 s1, $0x2  }
0xc0: {  	s3 =	sand.u32 $0x4000, s31;
	s1 =	sadd.s32 s1, s30  }
0xc1: {  	s0 =	sor.u32 s3, s0;
	s1 =	sshll.u32 s1, $0x11  }
0xc2: {  	s0 =	sor.u32 s1, s0  }
0xc3: {  	s0 =	sadd.s32 $0x8F2B, s0  }
0xc4: {  	[sflag:s0] =	ssyncadd.remote.s32 $0x1  }
0xc5: {  	_ =	sfence.sel $0xFFFF  }
0xc6: {  	[dreg:$0x0] =	wrdreg $0xFFFFFFFF;
	(pc) =	sbr.abs _section_cstart, $3  }
0xc7: {  	[dreg:$0x1] =	wrdreg $0xFFFFFFFF  }
0xc8: {  	_ =	task.clear_ibuf [dreg:s8], $0x2FFFF;
	_ =	strace $0x9FFFFFFF  }
0xc9: {  	(tm) =	ssettm $0x7FFFFFFF  }
tec
execute0_lowered:
.L_overlay_start_1:
0x0: {  	(tag) =	ssettag $0x1  }
0x1: {  	s1 =	srdreg.scid;
	s0 =	stileid.u32  }
0x2: {  	s2 =	rddreg [dreg:$0x0];
	s13 =	sand.u32 $0x1, s1;
	s30 =	sshll.u32 s0, $0x1  }
0x3: {  	s8 =	rddreg [dreg:$0x1];
	s12 =	sor.u32 s13, s30  }
0x4: {  	s14 =	rddreg [dreg:$0x2];
	s6 =	smul.u32 $0x240, s12  }
0x5: {  	s3 =	simm.s32 $0x0;
	s1 =	rddreg [dreg:$0x3]  }
0x6: {  	[smem:$0x7FF] =	sst s3;
	s4 =	sshrl.u32 s6, $0x3  }
0x7: {  	_ =	strace $0x80000047;
	s5 =	sadd.s32 s8, s4;
	s4 =	simm.s32 $0x3  }
0x8: {  	[tilespmem:s3], [sflag:$0x3] =	stream.linear.gather [hbm4b:s5+s3], $0x120, $0x38;
	[tilespmem:$0x12300] =	vst v63  }
0x9: {  	_ =	swait.ge [sflag:s4], $0x120  }
0xa: {  	s7 =	simm.s32 $0x300;
	s15 =	sadd.s32 $0x120, s6;
	[sflag:s4] =	ssyncset.done $0x0  }
0xb: {  	s6 =	simm.s32 $0x120;
	s9 =	sshrl.u32 s15, $0x3;
	[sflag:s4] =	ssyncadd.s32 $0xFFFFFEE0  }
0xc: {  	[tilespmem:s7], [sflag:$0x1] =	stream.indirect.gather [hbm4b:s2+s6], $0x80, s3, s6, $0xb8;
	[tilespmem:$0x12300] =	vst v63  }
0xd: {  	s8 =	sadd.s32 s8, s9;
	s9 =	simm.s32 $0x180  }
0xe: {  	[tilespmem:s9], [sflag:$0x3] =	stream.linear.gather [hbm4b:s8+s3], $0x120, $0x38;
	[tilespmem:$0x12300] =	vst v63  }
0xf: {  	_ =	swait.ge [sflag:s4], $0x120  }
0x10: {  	[sflag:s4] =	ssyncset.done $0x0  }
0x11: {  	s10 =	simm.s32 $0x9300;
	s11 =	simm.s32 $0x1;
	[sflag:s4] =	ssyncadd.s32 $0xFFFFFEE0  }
0x12: {  	[tilespmem:s10], [sflag:$0x2] =	stream.indirect.gather [hbm4b:s2+s6], $0x80, s9, s6, $0xb8;
	[tilespmem:$0x12300] =	vst v63  }
0x13: {  	s12 =	smul.u32 $0x2400, s12;
	_ =	swait.ge [sflag:s11], $0x9000  }
0x14: {  	s14 =	sadd.s32 $0x400, s14;
	[sflag:s11] =	ssyncset.done $0x0  }
0x15: {  	s16 =	ssub.s32 $0x2, s13;
	s12 =	sadd.s32 s14, s12;
	[sflag:s11] =	ssyncadd.s32 $0xFFFF7000  }
0x16: {  	[hbm4b:s12+s3] =	stream.linear.scatter [tilespmem:s7], [sflag:$0x3], $0x9000, $0x38;
	[tilespmem:$0x12300] =	vst v63  }
0x17: {  	s17 =	sshrl.u32 s16, $0x1;
	_ =	swait.ge [sflag:s4], $0x9000  }
0x18: {  	s16 =	ssub.s32 s16, s17;
	[sflag:s4] =	ssyncset.done $0x0  }
0x19: {  	s13 =	simm.s32 $0x2;
	s31 =	smax.u32 s16, $0x1;
	[sflag:s4] =	ssyncadd.s32 $0xFFFF7000  }
0x1a: {  	p0 =	sne.s32 s31, $0x1;
	_ =	swait.ge [sflag:s13], $0x9000  }
.Ltmp0:
0x1b: {  	s15 =	sshll.u32 s15, $0x4;
	[sflag:s13] =	ssyncset.done $0x0;
	(pc) =	sbr.rel @!p0 .LBB2_2-.Ltmp0, $4  }
0x1c: {  	s14 =	sadd.s32 s14, s15;
	[sflag:s13] =	ssyncadd.s32 $0xFFFF7000  }
0x1d: {  	[hbm4b:s14+s3] =	stream.linear.scatter [tilespmem:s10], [sflag:$0x3], $0x9000, $0x38;
	[tilespmem:$0x12300] =	vst v63  }
0x1e: {  	_ =	swait.ge [sflag:s4], $0x9000  }
0x1f: {  	s15 =	sadd.s32 $0xFFFFFFFF, s31;
	[sflag:s4] =	ssyncset.done $0x0  }
.LBB2_1:
0x20: {  	p0 =	sne.s32 s15, $0x1;
	s15 =	sadd.s32 $0xFFFFFFFF, s15;
	[sflag:s4] =	ssyncadd.s32 $0xFFFF7000  }
0x21: {  	[tilespmem:s3], [sflag:$0x3] =	stream.linear.gather [hbm4b:s5+s3], $0x120, $0x38;
	[tilespmem:$0x12300] =	vst v63  }
0x22: {  	_ =	swait.ge [sflag:s4], $0x120  }
0x23: {  	[sflag:s4] =	ssyncset.done $0x0  }
0x24: {  	[sflag:s4] =	ssyncadd.s32 $0xFFFFFEE0  }
0x25: {  	[tilespmem:s7], [sflag:$0x1] =	stream.indirect.gather [hbm4b:s2+s6], $0x80, s3, s6, $0xb8;
	[tilespmem:$0x12300] =	vst v63  }
0x26: {  	_ = 	snop  }
0x27: {  	[tilespmem:s9], [sflag:$0x3] =	stream.linear.gather [hbm4b:s8+s3], $0x120, $0x38;
	[tilespmem:$0x12300] =	vst v63  }
0x28: {  	_ =	swait.ge [sflag:s4], $0x120  }
0x29: {  	[sflag:s4] =	ssyncset.done $0x0  }
0x2a: {  	[sflag:s4] =	ssyncadd.s32 $0xFFFFFEE0  }
0x2b: {  	[tilespmem:s10], [sflag:$0x2] =	stream.indirect.gather [hbm4b:s2+s6], $0x80, s9, s6, $0xb8;
	[tilespmem:$0x12300] =	vst v63  }
0x2c: {  	_ =	swait.ge [sflag:s11], $0x9000  }
0x2d: {  	[sflag:s11] =	ssyncset.done $0x0  }
0x2e: {  	[sflag:s11] =	ssyncadd.s32 $0xFFFF7000  }
0x2f: {  	[hbm4b:s12+s3] =	stream.linear.scatter [tilespmem:s7], [sflag:$0x3], $0x9000, $0x38;
	[tilespmem:$0x12300] =	vst v63  }
0x30: {  	_ =	swait.ge [sflag:s4], $0x9000  }
0x31: {  	[sflag:s4] =	ssyncset.done $0x0  }
0x32: {  	[sflag:s4] =	ssyncadd.s32 $0xFFFF7000  }
0x33: {  	_ =	swait.ge [sflag:s13], $0x9000  }
.Ltmp1:
0x34: {  	[sflag:s13] =	ssyncset.done $0x0;
	(pc) =	sbr.rel @p0 .LBB2_1-.Ltmp1, $4  }
0x35: {  	[sflag:s13] =	ssyncadd.s32 $0xFFFF7000  }
0x36: {  	[hbm4b:s14+s3] =	stream.linear.scatter [tilespmem:s10], [sflag:$0x3], $0x9000, $0x38;
	[tilespmem:$0x12300] =	vst v63  }
0x37: {  	_ =	swait.ge [sflag:s4], $0x9000  }
0x38: {  	[sflag:s4] =	ssyncset.done $0x0  }
.LBB2_2:
0x39: {  	[sflag:s4] =	ssyncadd.s32 $0xFFFF7000  }
0x3a: {  	_ =	sfence.sel $0x180000  }
0x3b: {  	[bflag:$0x0] =	sbarrier.arrive $0xFFFF  }
0x3c: {  	p0 =	sne.s32 s0, $0x0;
	_ =	strace $0x90000047  }
0x3d: {  	s0 =	sadd.s32 @!p0 $0x100000, s1;
	[bflag:$0x2] =	sbarrier.arrive $0xFFFF  }
0x3e: {  	[sflag:s0] =	ssyncadd.tile.s32 @!p0 $0x1;
	_ =	shalt  }
.Lfunc_end2:
_tile_overlayer_lowered:
.L_overlay_start_2:
0x3f: {  	(tag) =	ssettag $0x2  }
0x40: {  	s0 =	rddreg [dreg:$0x0];
	s2 =	stileid.u32  }
0x41: {  	s1 =	rddreg [dreg:$0x1];
	p0 =	sne.s32 s2, $0x0  }
0x42: {  	s3 =	rddreg [dreg:$0x2];
	[bflag:$0x3] =	sbarrier.arrive $0xFFFF;
	s2 =	simm.s32 @!p0 $0x1C03  }
0x43: {  	[timem:s3], [sflag:s2] =	dma.local @!p0 [hbm:s0], s1  }
0x44: {  	s0 =	simm.s32 @!p0 $0x3  }
0x45: {  	_ =	swait.ge @!p0 [sflag:s0], s1  }
0x46: {  	s1 =	ssub.s32 @!p0 $0x0, s1;
	[sflag:s0] =	ssyncset.done @!p0 $0x0  }
0x47: {  	[sflag:s0] =	ssyncadd.s32 @!p0 s1  }
0x48: {  	[bflag:$0x3] =	sbarrier.arrive $0xFFFF  }
0x49: {  	_ =	shalt  }

</sc_bundles>
